<compile_context>
chip_gen: v7x
topology: tpu7x:2x2x1
jax: 0.10.2.dev20260603
libtpu: 0.0.44.dev20260713+nightly
codegen_flags: <defaults>
</compile_context>

<pallas_src>
import functools

import jax
import jax.numpy as jnp
from jax import lax
from jax.experimental import pallas as pl
from jax.experimental.pallas import tpu as pltpu
from jax.experimental.pallas import tpu_sc as plsc

B, F, IMG = 4, 384, 128 * 128
L, K = 64 * 64, 9
BF = B * F

NC, NS, LANES = 2, 16, 16
NW = NC * NS
ROWS_PER_W = BF // NW
G = 2
NGRP = ROWS_PER_W // G
ROW_PAD = IMG + LANES
NCHUNK = L // LANES

_mesh = plsc.VectorSubcoreMesh(core_axis_name="c", subcore_axis_name="s")


@functools.partial(
    pl.kernel,
    mesh=_mesh,
    compiler_params=pltpu.CompilerParams(needs_layout_passes=False),
    out_type=jax.ShapeDtypeStruct((BF * L,), jnp.float32),
    scratch_types=[
        pltpu.VMEM((K * L,), jnp.int32),
        pltpu.VMEM((K * L,), jnp.float32),
        pltpu.VMEM((G * ROW_PAD,), jnp.float32),
        pltpu.VMEM((G * L,), jnp.float32),
    ],
)
def _pool(x_hbm, idx_hbm, m_hbm, out_hbm, cidx_v, m_v, rows_v, out_v):
    wid = lax.axis_index("s") * NC + lax.axis_index("c")
    row0 = wid * ROWS_PER_W

    pltpu.sync_copy(idx_hbm, cidx_v)
    pltpu.sync_copy(m_hbm, m_v)

    def fix_body(i, carry):
        off = pl.multiple_of(i * LANES, LANES)
        idx = cidx_v[pl.ds(off, LANES)]
        m = m_v[pl.ds(off, LANES)]
        cidx_v[pl.ds(off, LANES)] = jnp.where(m > 0.0, idx, IMG)
        return carry

    lax.fori_loop(0, (K * L) // LANES, fix_body, 0)

    for r in range(G):
        rows_v[pl.ds(r * ROW_PAD + IMG, LANES)] = jnp.zeros((LANES,), jnp.float32)

    inv_k = jnp.float32(1.0 / K)

    def group_body(g, carry):
        base = row0 + g * G
        for r in range(G):
            pltpu.sync_copy(
                x_hbm.at[pl.ds((base + r) * IMG, IMG)],
                rows_v.at[pl.ds(r * ROW_PAD, IMG)],
            )

        def chunk_body(c, inner):
            off = pl.multiple_of(c * LANES, LANES)
            ci = [cidx_v[pl.ds(k * L + off, LANES)] for k in range(K)]
            for r in range(G):
                cr = [x + (r * ROW_PAD) for x in ci] if r else ci
                acc = plsc.load_gather(rows_v, [cr[0]])
                for k in range(1, K):
                    acc = acc + plsc.load_gather(rows_v, [cr[k]])
                out_v[pl.ds(r * L + off, LANES)] = acc * inv_k
            return inner

        lax.fori_loop(0, NCHUNK, chunk_body, 0)
        pltpu.sync_copy(out_v, out_hbm.at[pl.ds(base * L, G * L)])
        return carry

    lax.fori_loop(0, NGRP, group_body, 0)


def kernel(input_images, indices, mask):
    x = input_images.reshape(BF * IMG)
    out = _pool(x, indices.reshape(K * L), mask.reshape(K * L))
    return out.reshape(B, F, L)

# --- scband reference (transcript-rebuilt; emitter-appended) ---
"""Pipeline reference for scband-indexed-average-pool2d-13219909337239 (READ-ONLY COPY).

The authoritative reference and input builder live on the scoring server;
editing this copy changes nothing except your own understanding.
"""

import jax, jax.numpy as jnp
import numpy as np

B, F, IMG = 4, 384, 128 * 128      # batch, features, flattened image size
L, K = 64 * 64, 9                  # pooled image size, kernel size


def setup_inputs(seed: int = 0) -> dict:
    key = jax.random.key(seed)
    k1, k2 = jax.random.split(key, 2)
    input_images = jax.random.normal(k1, (B, F, IMG), dtype=jnp.float32)
    # raw indices as the torch module receives them: (L, kernel_size) with -1 = missing neighbor
    raw = jax.random.randint(k2, (L, K), -1, IMG)
    # utils.prepare_mask: clamp -1 -> 0, mask out missing neighbors, transpose to (K, L)
    # so that the mean over axis 2 reduces the kernel dimension (zero-padded average pool)
    indices = jnp.transpose(jnp.clip(raw, 0, IMG - 1)).astype(jnp.int32)   # (K, L)
    mask = jnp.transpose((raw >= 0).astype(jnp.float32))                   # (K, L)
    return {"input_images": input_images, "indices": indices, "mask": mask}


def reference(input_images, indices, mask):
    # col: (B, F, K, L) gathered neighbor pixels, masked for zero-padding
    col = input_images[..., indices] * mask
    # mean over the kernel dimension (axis 2), matching torch.mean(col, 2)
    out = jnp.mean(col, axis=2)    # (B, F, L)
    return out

if __name__ == "__main__":
    import jax
    _d = setup_inputs()
    print(jax.jit(kernel)(*tuple(_d.values())))

</pallas_src>

<mosaic_0001>
#map = affine_map<(d0, d1) -> (0)>
module attributes {stable_mosaic.version = 14 : i64} {
  func.func @_pool(%arg0: i32, %arg1: i32, %arg2: memref<25165824xf32, #tpu.memory_space<hbm>>, %arg3: memref<36864xi32, #tpu.memory_space<hbm>>, %arg4: memref<36864xf32, #tpu.memory_space<hbm>>, %arg5: memref<6291456xf32, #tpu.memory_space<hbm>>, %arg6: memref<36864xi32, #tpu.memory_space<vmem>>, %arg7: memref<36864xf32, #tpu.memory_space<vmem>>, %arg8: memref<32800xf32, #tpu.memory_space<vmem>>, %arg9: memref<8192xf32, #tpu.memory_space<vmem>>) attributes {dimension_semantics = [#tpu.dimension_semantics<core_parallel>, #tpu.dimension_semantics<subcore_parallel>], iteration_bounds = array<i64: 2, 16>, scalar_prefetch = 0 : i64, scratch_operands = 4 : i64, tpu.core_type = #tpu.core_type<sc_vector_subcore>, window_params = [{transform_indices = #map}, {transform_indices = #map}, {transform_indices = #map}, {transform_indices = #map}]} {
    %mul3A = arith.constant 2 : i32
    %mul3A_0 = arith.muli %arg1, %mul3A : i32
    %add3A = arith.addi %mul3A_0, %arg0 : i32
    %mul3A_1 = arith.constant 48 : i32
    %mul3A_2 = arith.muli %add3A, %mul3A_1 : i32
    "tpu.region"() ({
      %run_scoped3A = tpu.sem_alloc : memref<!tpu.dma_semaphore, #tpu.memory_space<semaphore_mem>>
      tpu.enqueue_dma source(%arg3 : memref<36864xi32, #tpu.memory_space<hbm>>) target(%arg6 : memref<36864xi32, #tpu.memory_space<vmem>>) target_semaphore(%run_scoped3A : memref<!tpu.dma_semaphore, #tpu.memory_space<semaphore_mem>>)
      tpu.wait_dma2 semaphore(%run_scoped3A : memref<!tpu.dma_semaphore, #tpu.memory_space<semaphore_mem>>) src(%arg3 : memref<36864xi32, #tpu.memory_space<hbm>>) dst(%arg6 : memref<36864xi32, #tpu.memory_space<vmem>>)
      tpu.yield
    }) : () -> ()
    "tpu.region"() ({
      %run_scoped3A = tpu.sem_alloc : memref<!tpu.dma_semaphore, #tpu.memory_space<semaphore_mem>>
      tpu.enqueue_dma source(%arg4 : memref<36864xf32, #tpu.memory_space<hbm>>) target(%arg7 : memref<36864xf32, #tpu.memory_space<vmem>>) target_semaphore(%run_scoped3A : memref<!tpu.dma_semaphore, #tpu.memory_space<semaphore_mem>>)
      tpu.wait_dma2 semaphore(%run_scoped3A : memref<!tpu.dma_semaphore, #tpu.memory_space<semaphore_mem>>) src(%arg4 : memref<36864xf32, #tpu.memory_space<hbm>>) dst(%arg7 : memref<36864xf32, #tpu.memory_space<vmem>>)
      tpu.yield
    }) : () -> ()
    %scan3A = arith.constant 0 : i32
    %scan3A_3 = arith.constant 0 : i32
    %scan3A_4 = arith.constant 2304 : i32
    %scan3A_5 = arith.addi %scan3A_3, %scan3A_4 : i32
    %scan3A_6 = arith.constant 1 : i32
    scf.for %scan3A_21 = %scan3A_3 to %scan3A_5 step %scan3A_6  : i32 {
      %mul3A_22 = arith.constant 16 : i32
      %mul3A_23 = arith.muli %scan3A_21, %mul3A_22 : i32
      %multiple_of3A = tpu.assume_multiple %mul3A_23, 16 : i32
      %get3A = arith.index_cast %multiple_of3A : i32 to index
      %get3A_24 = tpu.vector_load %arg6[%get3A] {strides = array<i32>} : memref<36864xi32, #tpu.memory_space<vmem>>, vector<16xi32>,
      %get3A_25 = arith.index_cast %multiple_of3A : i32 to index
      %get3A_26 = tpu.vector_load %arg7[%get3A_25] {strides = array<i32>} : memref<36864xf32, #tpu.memory_space<vmem>>, vector<16xf32>,
      %gt3A = arith.constant 0.000000e+00 : f32
      %gt3A_27 = vector.broadcast %gt3A : f32 to vector<16xf32>
      %gt3A_28 = arith.cmpf ogt, %get3A_26, %gt3A_27 : vector<16xf32>
      %jit3A = arith.constant 16384 : i32
      %broadcast_in_dim3A_29 = vector.broadcast %jit3A : i32 to vector<16xi32>
      %select_n3A = arith.select %gt3A_28, %get3A_24, %broadcast_in_dim3A_29 : vector<16xi1>, vector<16xi32>
      %swap3A_30 = arith.index_cast %multiple_of3A : i32 to index
      %swap3A_31 = tpu.vector_load %arg6[%swap3A_30] {strides = array<i32>} : memref<36864xi32, #tpu.memory_space<vmem>>, vector<16xi32>,
      tpu.vector_store %arg6[%swap3A_30], %select_n3A {strides = array<i32>} : memref<36864xi32, #tpu.memory_space<vmem>>, vector<16xi32>,
    }
    %scan3A_7 = arith.constant 2304 : i32
    %broadcast_in_dim3A = arith.constant 0.000000e+00 : f32
    %broadcast_in_dim3A_8 = vector.broadcast %broadcast_in_dim3A : f32 to vector<16xf32>
    %swap3A = arith.constant 16384 : index
    %swap3A_9 = tpu.vector_load %arg8[%swap3A] {strides = array<i32>} : memref<32800xf32, #tpu.memory_space<vmem>>, vector<16xf32>,
    tpu.vector_store %arg8[%swap3A], %broadcast_in_dim3A_8 {strides = array<i32>} : memref<32800xf32, #tpu.memory_space<vmem>>, vector<16xf32>,
    %broadcast_in_dim3A_10 = arith.constant 0.000000e+00 : f32
    %broadcast_in_dim3A_11 = vector.broadcast %broadcast_in_dim3A_10 : f32 to vector<16xf32>
    %swap3A_12 = arith.constant 32784 : index
    %swap3A_13 = tpu.vector_load %arg8[%swap3A_12] {strides = array<i32>} : memref<32800xf32, #tpu.memory_space<vmem>>, vector<16xf32>,
    tpu.vector_store %arg8[%swap3A_12], %broadcast_in_dim3A_11 {strides = array<i32>} : memref<32800xf32, #tpu.memory_space<vmem>>, vector<16xf32>,
    %scan3A_14 = arith.constant 0 : i32
    %scan3A_15 = arith.constant 0.111111112 : f32
    %scan3A_16 = arith.constant 0 : i32
    %scan3A_17 = arith.constant 24 : i32
    %scan3A_18 = arith.addi %scan3A_16, %scan3A_17 : i32
    %scan3A_19 = arith.constant 1 : i32
    scf.for %scan3A_21 = %scan3A_16 to %scan3A_18 step %scan3A_19  : i32 {
      %mul3A_22 = arith.constant 2 : i32
      %mul3A_23 = arith.muli %scan3A_21, %mul3A_22 : i32
      %add3A_24 = arith.addi %mul3A_2, %mul3A_23 : i32
      %add3A_25 = arith.constant 0 : i32
      %add3A_26 = arith.addi %add3A_24, %add3A_25 : i32
      %mul3A_27 = arith.constant 16384 : i32
      %mul3A_28 = arith.muli %add3A_26, %mul3A_27 : i32
      "tpu.region"() ({
        %run_scoped3A = tpu.sem_alloc : memref<!tpu.dma_semaphore, #tpu.memory_space<semaphore_mem>>
        %dma_start3A = arith.constant 0 : i32
        %dma_start3A_41 = tpu.memref_slice %arg8[%dma_start3A] : memref<32800xf32, #tpu.memory_space<vmem>> -> memref<16384xf32, #tpu.memory_space<vmem>>
        %dma_start3A_42 = tpu.memref_slice %arg2[%mul3A_28] : memref<25165824xf32, #tpu.memory_space<hbm>> -> memref<16384xf32, #tpu.memory_space<hbm>>
        %dma_start3A_43 = arith.constant 0 : i32
        %dma_start3A_44 = tpu.memref_slice %arg8[%dma_start3A_43] : memref<32800xf32, #tpu.memory_space<vmem>> -> memref<16384xf32, #tpu.memory_space<vmem>>
        %dma_start3A_45 = tpu.memref_slice %arg2[%mul3A_28] : memref<25165824xf32, #tpu.memory_space<hbm>> -> memref<16384xf32, #tpu.memory_space<hbm>>
        tpu.enqueue_dma source(%dma_start3A_45 : memref<16384xf32, #tpu.memory_space<hbm>>) target(%dma_start3A_44 : memref<16384xf32, #tpu.memory_space<vmem>>) target_semaphore(%run_scoped3A : memref<!tpu.dma_semaphore, #tpu.memory_space<semaphore_mem>>)
        %dma_wait3A = arith.constant 0 : i32
        %dma_wait3A_46 = tpu.memref_slice %arg8[%dma_wait3A] : memref<32800xf32, #tpu.memory_space<vmem>> -> memref<16384xf32, #tpu.memory_space<vmem>>
        %dma_wait3A_47 = tpu.memref_slice %arg2[%mul3A_28] : memref<25165824xf32, #tpu.memory_space<hbm>> -> memref<16384xf32, #tpu.memory_space<hbm>>
        %dma_wait3A_48 = arith.constant 0 : i32
        %dma_wait3A_49 = tpu.memref_slice %arg8[%dma_wait3A_48] : memref<32800xf32, #tpu.memory_space<vmem>> -> memref<16384xf32, #tpu.memory_space<vmem>>
        %dma_wait3A_50 = tpu.memref_slice %arg2[%mul3A_28] : memref<25165824xf32, #tpu.memory_space<hbm>> -> memref<16384xf32, #tpu.memory_space<hbm>>
        tpu.wait_dma2 semaphore(%run_scoped3A : memref<!tpu.dma_semaphore, #tpu.memory_space<semaphore_mem>>) src(%dma_wait3A_50 : memref<16384xf32, #tpu.memory_space<hbm>>) dst(%dma_wait3A_49 : memref<16384xf32, #tpu.memory_space<vmem>>)
        tpu.yield
      }) : () -> ()
      %add3A_29 = arith.constant 1 : i32
      %add3A_30 = arith.addi %add3A_24, %add3A_29 : i32
      %mul3A_31 = arith.constant 16384 : i32
      %mul3A_32 = arith.muli %add3A_30, %mul3A_31 : i32
      "tpu.region"() ({
        %run_scoped3A = tpu.sem_alloc : memref<!tpu.dma_semaphore, #tpu.memory_space<semaphore_mem>>
        %dma_start3A = arith.constant 16400 : i32
        %dma_start3A_41 = tpu.memref_slice %arg8[%dma_start3A] : memref<32800xf32, #tpu.memory_space<vmem>> -> memref<16384xf32, #tpu.memory_space<vmem>>
        %dma_start3A_42 = tpu.memref_slice %arg2[%mul3A_32] : memref<25165824xf32, #tpu.memory_space<hbm>> -> memref<16384xf32, #tpu.memory_space<hbm>>
        %dma_start3A_43 = arith.constant 16400 : i32
        %dma_start3A_44 = tpu.memref_slice %arg8[%dma_start3A_43] : memref<32800xf32, #tpu.memory_space<vmem>> -> memref<16384xf32, #tpu.memory_space<vmem>>
        %dma_start3A_45 = tpu.memref_slice %arg2[%mul3A_32] : memref<25165824xf32, #tpu.memory_space<hbm>> -> memref<16384xf32, #tpu.memory_space<hbm>>
        tpu.enqueue_dma source(%dma_start3A_45 : memref<16384xf32, #tpu.memory_space<hbm>>) target(%dma_start3A_44 : memref<16384xf32, #tpu.memory_space<vmem>>) target_semaphore(%run_scoped3A : memref<!tpu.dma_semaphore, #tpu.memory_space<semaphore_mem>>)
        %dma_wait3A = arith.constant 16400 : i32
        %dma_wait3A_46 = tpu.memref_slice %arg8[%dma_wait3A] : memref<32800xf32, #tpu.memory_space<vmem>> -> memref<16384xf32, #tpu.memory_space<vmem>>
        %dma_wait3A_47 = tpu.memref_slice %arg2[%mul3A_32] : memref<25165824xf32, #tpu.memory_space<hbm>> -> memref<16384xf32, #tpu.memory_space<hbm>>
        %dma_wait3A_48 = arith.constant 16400 : i32
        %dma_wait3A_49 = tpu.memref_slice %arg8[%dma_wait3A_48] : memref<32800xf32, #tpu.memory_space<vmem>> -> memref<16384xf32, #tpu.memory_space<vmem>>
        %dma_wait3A_50 = tpu.memref_slice %arg2[%mul3A_32] : memref<25165824xf32, #tpu.memory_space<hbm>> -> memref<16384xf32, #tpu.memory_space<hbm>>
        tpu.wait_dma2 semaphore(%run_scoped3A : memref<!tpu.dma_semaphore, #tpu.memory_space<semaphore_mem>>) src(%dma_wait3A_50 : memref<16384xf32, #tpu.memory_space<hbm>>) dst(%dma_wait3A_49 : memref<16384xf32, #tpu.memory_space<vmem>>)
        tpu.yield
      }) : () -> ()
      %scan3A_33 = arith.constant 0 : i32
      %scan3A_34 = arith.constant 0 : i32
      %scan3A_35 = arith.constant 256 : i32
      %scan3A_36 = arith.addi %scan3A_34, %scan3A_35 : i32
      %scan3A_37 = arith.constant 1 : i32
      scf.for %scan3A_41 = %scan3A_34 to %scan3A_36 step %scan3A_37  : i32 {
        %mul3A_42 = arith.constant 16 : i32
        %mul3A_43 = arith.muli %scan3A_41, %mul3A_42 : i32
        %multiple_of3A = tpu.assume_multiple %mul3A_43, 16 : i32
        %add3A_44 = arith.constant 0 : i32
        %add3A_45 = arith.addi %add3A_44, %multiple_of3A : i32
        %get3A = arith.index_cast %add3A_45 : i32 to index
        %get3A_46 = tpu.vector_load %arg6[%get3A] {strides = array<i32>} : memref<36864xi32, #tpu.memory_space<vmem>>, vector<16xi32>,
        %add3A_47 = arith.constant 4096 : i32
        %add3A_48 = arith.addi %add3A_47, %multiple_of3A : i32
        %get3A_49 = arith.index_cast %add3A_48 : i32 to index
        %get3A_50 = tpu.vector_load %arg6[%get3A_49] {strides = array<i32>} : memref<36864xi32, #tpu.memory_space<vmem>>, vector<16xi32>,
        %add3A_51 = arith.constant 8192 : i32
        %add3A_52 = arith.addi %add3A_51, %multiple_of3A : i32
        %get3A_53 = arith.index_cast %add3A_52 : i32 to index
        %get3A_54 = tpu.vector_load %arg6[%get3A_53] {strides = array<i32>} : memref<36864xi32, #tpu.memory_space<vmem>>, vector<16xi32>,
        %add3A_55 = arith.constant 12288 : i32
        %add3A_56 = arith.addi %add3A_55, %multiple_of3A : i32
        %get3A_57 = arith.index_cast %add3A_56 : i32 to index
        %get3A_58 = tpu.vector_load %arg6[%get3A_57] {strides = array<i32>} : memref<36864xi32, #tpu.memory_space<vmem>>, vector<16xi32>,
        %add3A_59 = arith.constant 16384 : i32
        %add3A_60 = arith.addi %add3A_59, %multiple_of3A : i32
        %get3A_61 = arith.index_cast %add3A_60 : i32 to index
        %get3A_62 = tpu.vector_load %arg6[%get3A_61] {strides = array<i32>} : memref<36864xi32, #tpu.memory_space<vmem>>, vector<16xi32>,
        %add3A_63 = arith.constant 20480 : i32
        %add3A_64 = arith.addi %add3A_63, %multiple_of3A : i32
        %get3A_65 = arith.index_cast %add3A_64 : i32 to index
        %get3A_66 = tpu.vector_load %arg6[%get3A_65] {strides = array<i32>} : memref<36864xi32, #tpu.memory_space<vmem>>, vector<16xi32>,
        %add3A_67 = arith.constant 24576 : i32
        %add3A_68 = arith.addi %add3A_67, %multiple_of3A : i32
        %get3A_69 = arith.index_cast %add3A_68 : i32 to index
        %get3A_70 = tpu.vector_load %arg6[%get3A_69] {strides = array<i32>} : memref<36864xi32, #tpu.memory_space<vmem>>, vector<16xi32>,
        %add3A_71 = arith.constant 28672 : i32
        %add3A_72 = arith.addi %add3A_71, %multiple_of3A : i32
        %get3A_73 = arith.index_cast %add3A_72 : i32 to index
        %get3A_74 = tpu.vector_load %arg6[%get3A_73] {strides = array<i32>} : memref<36864xi32, #tpu.memory_space<vmem>>, vector<16xi32>,
        %add3A_75 = arith.constant 32768 : i32
        %add3A_76 = arith.addi %add3A_75, %multiple_of3A : i32
        %get3A_77 = arith.index_cast %add3A_76 : i32 to index
        %get3A_78 = tpu.vector_load %arg6[%get3A_77] {strides = array<i32>} : memref<36864xi32, #tpu.memory_space<vmem>>, vector<16xi32>,
        %gather3A = tpu.vector_load_idx %arg8[%get3A_46] : memref<32800xf32, #tpu.memory_space<vmem>>[vector<16xi32>], vector<16xf32>,
        %gather3A_79 = tpu.vector_load_idx %arg8[%get3A_50] : memref<32800xf32, #tpu.memory_space<vmem>>[vector<16xi32>], vector<16xf32>,
        %add3A_80 = arith.addf %gather3A, %gather3A_79 : vector<16xf32>
        %gather3A_81 = tpu.vector_load_idx %arg8[%get3A_54] : memref<32800xf32, #tpu.memory_space<vmem>>[vector<16xi32>], vector<16xf32>,
        %add3A_82 = arith.addf %add3A_80, %gather3A_81 : vector<16xf32>
        %gather3A_83 = tpu.vector_load_idx %arg8[%get3A_58] : memref<32800xf32, #tpu.memory_space<vmem>>[vector<16xi32>], vector<16xf32>,
        %add3A_84 = arith.addf %add3A_82, %gather3A_83 : vector<16xf32>
        %gather3A_85 = tpu.vector_load_idx %arg8[%get3A_62] : memref<32800xf32, #tpu.memory_space<vmem>>[vector<16xi32>], vector<16xf32>,
        %add3A_86 = arith.addf %add3A_84, %gather3A_85 : vector<16xf32>
        %gather3A_87 = tpu.vector_load_idx %arg8[%get3A_66] : memref<32800xf32, #tpu.memory_space<vmem>>[vector<16xi32>], vector<16xf32>,
        %add3A_88 = arith.addf %add3A_86, %gather3A_87 : vector<16xf32>
        %gather3A_89 = tpu.vector_load_idx %arg8[%get3A_70] : memref<32800xf32, #tpu.memory_space<vmem>>[vector<16xi32>], vector<16xf32>,
        %add3A_90 = arith.addf %add3A_88, %gather3A_89 : vector<16xf32>
        %gather3A_91 = tpu.vector_load_idx %arg8[%get3A_74] : memref<32800xf32, #tpu.memory_space<vmem>>[vector<16xi32>], vector<16xf32>,
        %add3A_92 = arith.addf %add3A_90, %gather3A_91 : vector<16xf32>
        %gather3A_93 = tpu.vector_load_idx %arg8[%get3A_78] : memref<32800xf32, #tpu.memory_space<vmem>>[vector<16xi32>], vector<16xf32>,
        %add3A_94 = arith.addf %add3A_92, %gather3A_93 : vector<16xf32>
        %mul3A_95 = vector.broadcast %scan3A_15 : f32 to vector<16xf32>
        %mul3A_96 = arith.mulf %add3A_94, %mul3A_95 : vector<16xf32>
        %add3A_97 = arith.constant 0 : i32
        %add3A_98 = arith.addi %add3A_97, %multiple_of3A : i32
        %swap3A_99 = arith.index_cast %add3A_98 : i32 to index
        %swap3A_100 = tpu.vector_load %arg9[%swap3A_99] {strides = array<i32>} : memref<8192xf32, #tpu.memory_space<vmem>>, vector<16xf32>,
        tpu.vector_store %arg9[%swap3A_99], %mul3A_96 {strides = array<i32>} : memref<8192xf32, #tpu.memory_space<vmem>>, vector<16xf32>,
        %add3A_101 = arith.constant 16400 : i32
        %add3A_102 = vector.broadcast %add3A_101 : i32 to vector<16xi32>
        %add3A_103 = arith.addi %get3A_46, %add3A_102 : vector<16xi32>
        %add3A_104 = arith.constant 16400 : i32
        %add3A_105 = vector.broadcast %add3A_104 : i32 to vector<16xi32>
        %add3A_106 = arith.addi %get3A_50, %add3A_105 : vector<16xi32>
        %add3A_107 = arith.constant 16400 : i32
        %add3A_108 = vector.broadcast %add3A_107 : i32 to vector<16xi32>
        %add3A_109 = arith.addi %get3A_54, %add3A_108 : vector<16xi32>
        %add3A_110 = arith.constant 16400 : i32
        %add3A_111 = vector.broadcast %add3A_110 : i32 to vector<16xi32>
        %add3A_112 = arith.addi %get3A_58, %add3A_111 : vector<16xi32>
        %add3A_113 = arith.constant 16400 : i32
        %add3A_114 = vector.broadcast %add3A_113 : i32 to vector<16xi32>
        %add3A_115 = arith.addi %get3A_62, %add3A_114 : vector<16xi32>
        %add3A_116 = arith.constant 16400 : i32
        %add3A_117 = vector.broadcast %add3A_116 : i32 to vector<16xi32>
        %add3A_118 = arith.addi %get3A_66, %add3A_117 : vector<16xi32>
        %add3A_119 = arith.constant 16400 : i32
        %add3A_120 = vector.broadcast %add3A_119 : i32 to vector<16xi32>
        %add3A_121 = arith.addi %get3A_70, %add3A_120 : vector<16xi32>
        %add3A_122 = arith.constant 16400 : i32
        %add3A_123 = vector.broadcast %add3A_122 : i32 to vector<16xi32>
        %add3A_124 = arith.addi %get3A_74, %add3A_123 : vector<16xi32>
        %add3A_125 = arith.constant 16400 : i32
        %add3A_126 = vector.broadcast %add3A_125 : i32 to vector<16xi32>
        %add3A_127 = arith.addi %get3A_78, %add3A_126 : vector<16xi32>
        %gather3A_128 = tpu.vector_load_idx %arg8[%add3A_103] : memref<32800xf32, #tpu.memory_space<vmem>>[vector<16xi32>], vector<16xf32>,
        %gather3A_129 = tpu.vector_load_idx %arg8[%add3A_106] : memref<32800xf32, #tpu.memory_space<vmem>>[vector<16xi32>], vector<16xf32>,
        %add3A_130 = arith.addf %gather3A_128, %gather3A_129 : vector<16xf32>
        %gather3A_131 = tpu.vector_load_idx %arg8[%add3A_109] : memref<32800xf32, #tpu.memory_space<vmem>>[vector<16xi32>], vector<16xf32>,
        %add3A_132 = arith.addf %add3A_130, %gather3A_131 : vector<16xf32>
        %gather3A_133 = tpu.vector_load_idx %arg8[%add3A_112] : memref<32800xf32, #tpu.memory_space<vmem>>[vector<16xi32>], vector<16xf32>,
        %add3A_134 = arith.addf %add3A_132, %gather3A_133 : vector<16xf32>
        %gather3A_135 = tpu.vector_load_idx %arg8[%add3A_115] : memref<32800xf32, #tpu.memory_space<vmem>>[vector<16xi32>], vector<16xf32>,
        %add3A_136 = arith.addf %add3A_134, %gather3A_135 : vector<16xf32>
        %gather3A_137 = tpu.vector_load_idx %arg8[%add3A_118] : memref<32800xf32, #tpu.memory_space<vmem>>[vector<16xi32>], vector<16xf32>,
        %add3A_138 = arith.addf %add3A_136, %gather3A_137 : vector<16xf32>
        %gather3A_139 = tpu.vector_load_idx %arg8[%add3A_121] : memref<32800xf32, #tpu.memory_space<vmem>>[vector<16xi32>], vector<16xf32>,
        %add3A_140 = arith.addf %add3A_138, %gather3A_139 : vector<16xf32>
        %gather3A_141 = tpu.vector_load_idx %arg8[%add3A_124] : memref<32800xf32, #tpu.memory_space<vmem>>[vector<16xi32>], vector<16xf32>,
        %add3A_142 = arith.addf %add3A_140, %gather3A_141 : vector<16xf32>
        %gather3A_143 = tpu.vector_load_idx %arg8[%add3A_127] : memref<32800xf32, #tpu.memory_space<vmem>>[vector<16xi32>], vector<16xf32>,
        %add3A_144 = arith.addf %add3A_142, %gather3A_143 : vector<16xf32>
        %mul3A_145 = vector.broadcast %scan3A_15 : f32 to vector<16xf32>
        %mul3A_146 = arith.mulf %add3A_144, %mul3A_145 : vector<16xf32>
        %add3A_147 = arith.constant 4096 : i32
        %add3A_148 = arith.addi %add3A_147, %multiple_of3A : i32
        %swap3A_149 = arith.index_cast %add3A_148 : i32 to index
        %swap3A_150 = tpu.vector_load %arg9[%swap3A_149] {strides = array<i32>} : memref<8192xf32, #tpu.memory_space<vmem>>, vector<16xf32>,
        tpu.vector_store %arg9[%swap3A_149], %mul3A_146 {strides = array<i32>} : memref<8192xf32, #tpu.memory_space<vmem>>, vector<16xf32>,
      }
      %scan3A_38 = arith.constant 256 : i32
      %mul3A_39 = arith.constant 4096 : i32
      %mul3A_40 = arith.muli %add3A_24, %mul3A_39 : i32
      "tpu.region"() ({
        %run_scoped3A = tpu.sem_alloc : memref<!tpu.dma_semaphore, #tpu.memory_space<semaphore_mem>>
        %dma_start3A = tpu.memref_slice %arg5[%mul3A_40] : memref<6291456xf32, #tpu.memory_space<hbm>> -> memref<8192xf32, #tpu.memory_space<hbm>>
        %dma_start3A_41 = tpu.memref_slice %arg5[%mul3A_40] : memref<6291456xf32, #tpu.memory_space<hbm>> -> memref<8192xf32, #tpu.memory_space<hbm>>
        tpu.enqueue_dma source(%arg9 : memref<8192xf32, #tpu.memory_space<vmem>>) target(%dma_start3A_41 : memref<8192xf32, #tpu.memory_space<hbm>>) target_semaphore(%run_scoped3A : memref<!tpu.dma_semaphore, #tpu.memory_space<semaphore_mem>>)
        %dma_wait3A = tpu.memref_slice %arg5[%mul3A_40] : memref<6291456xf32, #tpu.memory_space<hbm>> -> memref<8192xf32, #tpu.memory_space<hbm>>
        %dma_wait3A_42 = tpu.memref_slice %arg5[%mul3A_40] : memref<6291456xf32, #tpu.memory_space<hbm>> -> memref<8192xf32, #tpu.memory_space<hbm>>
        tpu.wait_dma2 semaphore(%run_scoped3A : memref<!tpu.dma_semaphore, #tpu.memory_space<semaphore_mem>>) src(%arg9 : memref<8192xf32, #tpu.memory_space<vmem>>) dst(%dma_wait3A_42 : memref<8192xf32, #tpu.memory_space<hbm>>)
        tpu.yield
      }) : () -> ()
    }
    %scan3A_20 = arith.constant 24 : i32
    return
  }
}

</mosaic_0001>

<sc_bundles>
// kernel: kernel.3.cloned.1.call-start
scs
__scs_entry_jumppad:
0x0: {  	(pc) =	sbr.rel $0x88, $3  }
0x1: {  	(tag) =	ssettag $0x0;
	lr =	simm.s32 $0x1  }
0x2: {  	[smem:$0x3F9E] =	sst lr;
	_ =	strace $0xD0000000  }
0x3: {  	_ = 	snop  }
0x4: {  	_ = 	snop  }
0x5: {  	_ = 	snop  }
0x6: {  	_ = 	snop  }
0x7: {  	_ = 	snop  }
__scs_overlays_trampoline_lowered:
0x8: {  	[smem:$0x3FAD] =	sst s0  }
0x9: {  	[smem:$0x3FAE] =	sst s1  }
0xa: {  	[smem:$0x3FAF] =	sst s2  }
0xb: {  	[smem:$0x3FB0] =	sst s3  }
0xc: {  	[smem:$0x3FB1] =	sst s4  }
0xd: {  	[smem:$0x3FB2] =	sst s5  }
0xe: {  	[smem:$0x3FB3] =	sst s6  }
0xf: {  	[smem:$0x3FB4] =	sst s7  }
0x10: {  	[smem:$0x3FB5] =	sst s8  }
0x11: {  	[smem:$0x3FB6] =	sst s9;
	s0 =	simm.s32 @!p0 $0x0  }
0x12: {  	s1 =	sld [smem:$0x3F9C];
	s0 =	simm.s32 @p0 $0x1  }
0x13: {  	[smem:$0x3FB7] =	sst s0;
	s0 =	simm.s32 @!p1 $0x0  }
0x14: {  	s2 =	sld [smem:$0x3F9B];
	s0 =	simm.s32 @p1 $0x1  }
0x15: {  	[smem:$0x3FB8] =	sst s0;
	s0 =	simm.s32 @!p2 $0x0  }
0x16: {  	s3 =	sld [smem:$0x3FDB];
	s0 =	simm.s32 @p2 $0x1  }
0x17: {  	s4 =	simm.s32 $0x1BF5;
	[smem:$0x3FBA] =	sst s0  }
0x18: {  	s0 =	sld [smem:$0x3F9D];
	_ =	swait.ge [sflag:s4], $0x0  }
0x19: {  	s7 =	sld [smem:$0x3F9E]  }
0x1a: {  	s8 =	sadd.s32 $0xFFFFE003, lr  }
0x1b: {  	s9 =	sadd.s32 $0xFFFFFEF7, lr;
	s5 =	simm.s32 $0xFFFFFFFF;
	p2 =	slt.u32 s8, $0xFFFFF086  }
0x1c: {  	p1 =	slt.u32 s9, $0xF7A;
	s5 =	simm.s32 @!p2 $0x0  }
0x1d: {  	s5 =	simm.s32 @p1 $0x1;
	p0 =	seq.s32 s7, s2  }
0x1e: {  	s7 =	smul.u32 @!p0 $0xF7A, s2;
	p2 =	seq.s32 @!p0 s5, $0x0  }
0x1f: {  	s9 =	smul.u32 $0xF7A, s1;
	s8 =	simm.s32 @!p0 $0x1BF5;
	p2 =	por !p2, p0  }
0x20: {  	[sflag:s8] =	ssyncset.s32 @!p0 $0xFFFFF086;
	s6 =	sadd.s32 @!p0 s3, s7;
	s7 =	simm.s32 @!p0 $0x108  }
0x21: {  	s3 =	sadd.s32 s3, s9;
	s6 =	sadd.s32 @!p0 $0x88, s6;
	s7 =	simm.s32 @p2 $0x1082  }
0x22: {  	[simem:s7], [sflag:s8] =	dma.local @!p0 [hbm:s6], $0xF7A  }
0x23: {  	s9 =	sor.u32 $0xD0000000, s2;
	s6 =	simm.s32 $0x108;
	_ =	swait.ge @!p0 [sflag:s8], $0x0  }
0x24: {  	s3 =	sadd.s32 $0x88, s3;
	s6 =	simm.s32 @!p1 $0x1082;
	[sflag:s4] =	ssyncset.s32 $0xFFFFF086  }
0x25: {  	[simem:s6], [sflag:s4] =	dma.local [hbm:s3], $0xF7A  }
0x26: {  	[smem:$0x3F9E] =	sst s1;
	(tag) =	ssettag s2;
	_ =	strace s9  }
0x27: {  	s1 =	sld [smem:$0x3FAE]  }
0x28: {  	s2 =	sld [smem:$0x3FAF]  }
0x29: {  	s4 =	sld [smem:$0x3FB1]  }
0x2a: {  	p0 =	seq.s32 s5, $0x0;
	s5 =	sld [smem:$0x3FB2]  }
0x2b: {  	s6 =	sld [smem:$0x3FB3]  }
0x2c: {  	s7 =	sld [smem:$0x3FB4]  }
0x2d: {  	s3 =	simm.s32 $0x108;
	s8 =	sld [smem:$0x3FB5]  }
0x2e: {  	s3 =	simm.s32 @!p0 $0x1082;
	s9 =	sld [smem:$0x3FB6]  }
0x2f: {  	lr =	sadd.s32 s0, s3;
	s0 =	sld [smem:$0x3FAD]  }
0x30: {  	s3 =	sld [smem:$0x3FB0]  }
0x31: {  	[smem:$0x3FB9] =	sst s10  }
0x32: {  	s10 =	sld [smem:$0x3FB7];
	_ =	sdelay $0x3  }
0x33: {  	p0 =	seq.s32 s10, $0x1;
	s10 =	sld [smem:$0x3FB9];
	_ =	sdelay $0x3  }
0x34: {  	[smem:$0x3FB9] =	sst s10  }
0x35: {  	s10 =	sld [smem:$0x3FB8];
	_ =	sdelay $0x3  }
0x36: {  	p1 =	seq.s32 s10, $0x1;
	s10 =	sld [smem:$0x3FB9];
	_ =	sdelay $0x3  }
0x37: {  	[smem:$0x3FB9] =	sst s10  }
0x38: {  	s10 =	sld [smem:$0x3FBA]  }
0x39: {  	_ = 	snop;
	(pc) =	sbr.ind lr, $3  }
0x3a: {  	_ = 	snop  }
0x3b: {  	_ = 	snop  }
0x3c: {  	p2 =	seq.s32 s10, $0x1;
	s10 =	sld [smem:$0x3FB9]  }
0x3d: {  	_ =	shalt  }
0x3e: {  	_ =	shalt  }
0x3f: {  	_ =	shalt  }
0x40: {  	_ =	shalt  }
0x41: {  	_ =	shalt  }
0x42: {  	_ =	shalt  }
0x43: {  	_ =	shalt  }
0x44: {  	_ =	shalt  }
0x45: {  	_ =	shalt  }
0x46: {  	_ =	shalt  }
0x47: {  	_ =	shalt  }
0x48: {  	_ =	shalt  }
0x49: {  	_ =	shalt  }
0x4a: {  	_ =	shalt  }
0x4b: {  	_ =	shalt  }
0x4c: {  	_ =	shalt  }
0x4d: {  	_ =	shalt  }
0x4e: {  	_ =	shalt  }
0x4f: {  	_ =	shalt  }
0x50: {  	_ =	shalt  }
0x51: {  	_ =	shalt  }
0x52: {  	_ =	shalt  }
0x53: {  	_ =	shalt  }
0x54: {  	_ =	shalt  }
0x55: {  	_ =	shalt  }
0x56: {  	_ =	shalt  }
0x57: {  	_ =	shalt  }
0x58: {  	_ =	shalt  }
0x59: {  	_ =	shalt  }
0x5a: {  	_ =	shalt  }
0x5b: {  	_ =	shalt  }
0x5c: {  	_ =	shalt  }
0x5d: {  	_ =	shalt  }
0x5e: {  	_ =	shalt  }
0x5f: {  	_ =	shalt  }
0x60: {  	_ =	shalt  }
0x61: {  	_ =	shalt  }
0x62: {  	_ =	shalt  }
0x63: {  	_ =	shalt  }
0x64: {  	_ =	shalt  }
0x65: {  	_ =	shalt  }
0x66: {  	_ =	shalt  }
0x67: {  	_ =	shalt  }
0x68: {  	_ =	shalt  }
0x69: {  	_ =	shalt  }
0x6a: {  	_ =	shalt  }
0x6b: {  	_ =	shalt  }
0x6c: {  	_ =	shalt  }
0x6d: {  	_ =	shalt  }
0x6e: {  	_ =	shalt  }
0x6f: {  	_ =	shalt  }
0x70: {  	_ =	shalt  }
0x71: {  	_ =	shalt  }
0x72: {  	_ =	shalt  }
0x73: {  	_ =	shalt  }
0x74: {  	_ =	shalt  }
0x75: {  	_ =	shalt  }
0x76: {  	_ =	shalt  }
0x77: {  	_ =	shalt  }
0x78: {  	_ =	shalt  }
0x79: {  	_ =	shalt  }
0x7a: {  	_ =	shalt  }
0x7b: {  	_ =	shalt  }
0x7c: {  	_ =	shalt  }
0x7d: {  	_ =	shalt  }
0x7e: {  	_ =	shalt  }
0x7f: {  	_ =	shalt  }
0x80: {  	_ =	shalt  }
0x81: {  	_ =	shalt  }
0x82: {  	_ =	shalt  }
0x83: {  	_ =	shalt  }
0x84: {  	_ =	shalt  }
0x85: {  	_ =	shalt  }
0x86: {  	_ =	shalt  }
0x87: {  	_ =	shalt  }
.Lfunc_end0:
.L_simem_size_0:
called_computation.1_lowered:
.L_overlay_start_0:
0x88: {  	s2 =	sld [smem:$0x3FD9]  }
0x89: {  	s3 =	sld [smem:$0x3FFE];
	_ =	sdelay $0x1  }
0x8a: {  	s1 =	srdreg.scid  }
0x8b: {  	s0 =	sand.u32 $0x1, s1  }
0x8c: {  	s17 =	sshll.u32 s0, $0xA;
	s2 =	sadd.s32 s3, s2  }
0x8d: {  	s2 =	sadd.s32 s2, s17  }
0x8e: {  	[smem:$0x3FC5] =	sst s2  }
0x8f: {  	_ = 	snop  }
0x90: {  	s2 =	sld [smem:$0x3FD0];
	(tm) =	ssettm $0x1  }
0x91: {  	s18 =	sld [smem:$0x3FFB];
	_ =	sdelay $0x3  }
0x92: {  	_ =	strace s18  }
0x93: {  	s3 =	sld [smem:$0x3FFC];
	_ =	sdelay $0x3  }
0x94: {  	_ =	strace s3  }
0x95: {  	s3 =	sld [smem:$0x3FFD];
	_ =	sdelay $0x3  }
0x96: {  	_ =	strace s3  }
0x97: {  	_ =	strace $0x8FFFFFFF  }
0x98: {  	s19 =	sld [smem:$0x3FDB];
	_ =	sdelay $0x1  }
0x99: {  	s4 =	simm.s32 $_scs_section_size  }
0x9a: {  	s5 =	simm.s32 $_size__tile_overlayer_lowered;
	s6 =	simm.s32 $_tile_overlayer_lowered  }
0x9b: {  	s22 =	simm.s32 $0x1BFF;
	s21 =	sshll.u32 s6, $0x1;
	s3 =	sadd.s32 s4, s19  }
0x9c: {  	s7 =	simm.s32 $0x0;
	s20 =	sshll.u32 s5, $0x1;
	s5 =	sadd.s32 s21, s3  }
0x9d: {  	[timem:s7], [sflag:s22] =	dma.local [hbm:s5], s20  }
0x9e: {  	_ =	swait.ge [sflag:s22], s20  }
0x9f: {  	s4 =	ssub.s32 $0x0, s20;
	[sflag:s22] =	ssyncset.done $0x0  }
0xa0: {  	[sflag:s22] =	ssyncadd.s32 s4;
	_ =	sdelay $0x1  }
0xa1: {  	s23 =	simm.s32 $0x1B8B  }
0xa2: {  	_ =	swait.ge [sflag:s23], $0x1  }
0xa3: {  	[sflag:s23] =	ssyncset.done $0x0  }
0xa4: {  	s25 =	simm.s32 $0x1B8E;
	s24 =	sld [smem:$0x3FFE];
	[sflag:s23] =	ssyncadd.s32 $0xFFFFFFFF  }
0xa5: {  	s26 =	simm.s32 $execute0_lowered;
	[smem:$0x3FD2] =	sst s25  }
0xa6: {  	s5 =	sshll.u32 s26, $0x1;
	_ =	strace $0x80000049;
	[dreg:$0x1] =	wrdreg $0xFFFFFFFF  }
0xa7: {  	s28 =	simm.s32 $_size_execute0_lowered;
	s3 =	sadd.s32 s3, s5;
	[dreg:$0x0] =	wrdreg $0x0  }
0xa8: {  	s5 =	sshll.u32 s28, $0x1;
	[dreg:$0x2] =	wrdreg s3  }
0xa9: {  	[dreg:$0x3] =	wrdreg s5  }
0xaa: {  	[dreg:$0x4] =	wrdreg $0xC0  }
0xab: {  	_ =	task [dreg:s7], $0x5FFFF  }
0xac: {  	[dreg:$0x1] =	wrdreg $0xFFFFFFFF  }
0xad: {  	[dreg:$0x0] =	wrdreg $0x60  }
0xae: {  	[dreg:$0x2] =	wrdreg s24  }
0xaf: {  	[dreg:$0x3] =	wrdreg s2  }
0xb0: {  	[dreg:$0x4] =	wrdreg $0x9  }
0xb1: {  	_ =	task.clear_ibuf [dreg:s7], $0x5FFFF;
	_ =	strace $0x90000049  }
0xb2: {  	s29 =	simm.s32 $0x9;
	_ =	strace $0x8000004B  }
0xb3: {  	_ =	swait.ge [sflag:s29], $0x1  }
0xb4: {  	[sflag:s29] =	ssyncadd.s32 $0xFFFFFFFF  }
0xb5: {  	_ =	strace $0x9000004B  }
0xb6: {  	_ =	sfence  }
0xb7: {  	s30 =	sld [smem:$0x0];
	_ =	sdelay $0x2  }
0xb8: {  	s31 =	sshll.u32 s1, $0xD;
	s1 =	sshrl.u32 s1, $0x2  }
0xb9: {  	s3 =	sand.u32 $0x4000, s31;
	s1 =	sadd.s32 s1, s30  }
0xba: {  	s0 =	sor.u32 s3, s0;
	s1 =	sshll.u32 s1, $0x11  }
0xbb: {  	s0 =	sor.u32 s1, s0  }
0xbc: {  	s0 =	sadd.s32 $0x8F2B, s0  }
0xbd: {  	[sflag:s0] =	ssyncadd.remote.s32 $0x1  }
0xbe: {  	_ =	sfence.sel $0xFFFF  }
0xbf: {  	[dreg:$0x0] =	wrdreg $0xFFFFFFFF;
	(pc) =	sbr.abs _section_cstart, $3  }
0xc0: {  	[dreg:$0x1] =	wrdreg $0xFFFFFFFF  }
0xc1: {  	_ =	task.clear_ibuf [dreg:s7], $0x2FFFF;
	_ =	strace $0x9FFFFFFF  }
0xc2: {  	(tm) =	ssettm $0x7FFFFFFF  }
0xc3: {  	_ =	shalt  }
tec
execute0_lowered:
.L_overlay_start_1:
0x0: {  	(tag) =	ssettag $0x1  }
0x1: {  	s8 =	rddreg [dreg:$0x0]  }
0x2: {  	s1 =	rddreg [dreg:$0x1]  }
0x3: {  	s0 =	rddreg [dreg:$0x2];
	s2 =	simm.s32 $0x0;
	s3 =	srdreg.scid  }
0x4: {  	s12 =	simm.s32 $0x12000;
	s13 =	simm.s32 $0x16010;
	s14 =	simm.s32 $0x1A080  }
0x5: {  	s15 =	simm.s32 $0x0;
	[smem:$0x7FF] =	sst s2;
	s7 =	sand.u32 $0x1, s3  }
0x6: {  	s4 =	sadd.s32 $0xC00, s8;
	s3 =	stileid.u32;
	s5 =	sadd.s32 $0x300C00, s8  }
0x7: {  	s6 =	sadd.s32 $0x301E00, s8;
	s8 =	sadd.s32 $0x1400, s8;
	s9 =	ssub.s32 $0x2, s7  }
0x8: {  	_ =	strace $0x8000004A;
	s11 =	sshll.u32 s3, $0x1;
	s10 =	sshrl.u32 s9, $0x1  }
0x9: {  	s7 =	sor.u32 s7, s11;
	s11 =	simm.s32 $0x9000;
	s9 =	ssub.s32 s9, s10  }
0xa: {  	v0 =	vimm.f32 $0.0e+00;
	s7 =	smul.u32 $0x30, s7;
	s10 =	simm.s32 $0x1;
	s9 =	smax.u32 s9, $0x1  }
.LBB2_1:
0xb: {  	[tilespmem:s2], [sflag:$0x1] =	stream.linear.gather [hbm4b:s1+s2], $0x9000, $0x38;
	[tilespmem:$0x1C080] =	vst v63  }
0xc: {  	_ =	swait.ge [sflag:s10], $0x9000  }
0xd: {  	[sflag:s10] =	ssyncset.done $0x0  }
0xe: {  	[sflag:s10] =	ssyncadd.s32 $0xFFFF7000  }
0xf: {  	[tilespmem:s11], [sflag:$0x1] =	stream.linear.gather [hbm4b:s5+s2], $0x9000, $0x38;
	[tilespmem:$0x1C080] =	vst v63  }
0x10: {  	_ =	swait.ge [sflag:s10], $0x9000  }
0x11: {  	[sflag:s10] =	ssyncset.done $0x0  }
0x12: {  	s16 =	simm.s32 $0x0;
	[sflag:s10] =	ssyncadd.s32 $0xFFFF7000  }
0x13: {  	v1 =	vld [tilespmem:s16+$0x9000]  }
0x14: {  	v2 =	vld [tilespmem:s16+$0x0];
	_ =	sdelay $0x3  }
0x15: {  	vm0 =	vgt.f32 v1, $0.0e+00  }
0x16: {  	s18 =	simm.s32 $0x10;
	s17 =	simm.s32 $0x80;
	v1 =	vnsel vm0, $0x4000, v2  }
.LBB2_2:
0x17: {  	p0 =	sne.s32 s17, $0x23FC0;
	v2 =	vld [tilespmem:s18+$0x9000];
	[tilespmem:s16+$0x0] =	vst v1;
	s16 =	smov.u32 s18  }
0x18: {  	v1 =	vld [tilespmem:s16+$0x0]  }
.Ltmp0:
0x19: {  	(pc) =	sbr.rel @p0 .LBB2_2-.Ltmp0, $3  }
0x1a: {  	_ =	sdelay $0x1  }
0x1b: {  	vm0 =	vgt.f32 v2, $0.0e+00  }
0x1c: {  	s18 =	sshra.s32 s17, $0x2;
	s17 =	sadd.s32 $0x40, s17;
	v1 =	vnsel vm0, $0x4000, v1  }
0x1d: {  	v2 =	vld [tilespmem:s18+$0x9000];
	[tilespmem:s16+$0x0] =	vst v1  }
0x1e: {  	v1 =	vld [tilespmem:s18+$0x0];
	_ =	sdelay $0x3  }
0x1f: {  	vm0 =	vgt.f32 v2, $0.0e+00  }
0x20: {  	v1 =	vnsel vm0, $0x4000, v1  }
0x21: {  	[tilespmem:s18+$0x0] =	vst v1  }
0x22: {  	[tilespmem:$0x16000] =	vst v0  }
0x23: {  	s16 =	simm.s32 $0x0;
	s17 =	simm.s32 $0x0;
	[tilespmem:$0x1A010] =	vst v0  }
.LBB2_4:
0x24: {  	s18 =	sshll.u32 s17, $0x1  }
0x25: {  	s18 =	sadd.s32 s7, s18  }
0x26: {  	s19 =	sshll.u32 s18, $0xB  }
0x27: {  	s20 =	sadd.s32 s4, s19  }
0x28: {  	[tilespmem:s12], [sflag:$0x1] =	stream.linear.gather [hbm4b:s20+s16], $0x4000, $0x38;
	[tilespmem:$0x1C080] =	vst v63  }
0x29: {  	_ =	swait.ge [sflag:s10], $0x4000  }
0x2a: {  	[sflag:s10] =	ssyncset.done $0x0  }
0x2b: {  	s19 =	sadd.s32 s19, s8;
	[sflag:s10] =	ssyncadd.s32 $0xFFFFC000  }
0x2c: {  	[tilespmem:s13], [sflag:$0x1] =	stream.linear.gather [hbm4b:s19+s16], $0x4000, $0x38;
	[tilespmem:$0x1C080] =	vst v63  }
0x2d: {  	_ =	swait.ge [sflag:s10], $0x4000  }
0x2e: {  	[sflag:s10] =	ssyncset.done $0x0  }
0x2f: {  	s19 =	simm.s32 $0x1000;
	[sflag:s10] =	ssyncadd.s32 $0xFFFFC000  }
0x30: {  	v1 =	vld [tilespmem:s19+$0xFFFFF000]  }
0x31: {  	v2 =	vld [tilespmem:s19+$0x0]  }
0x32: {  	s31 =	sand.u32 $0xFF0, s16  }
0x33: {  	v3 =	vld [tilespmem:s31+$0x2000];
	_ =	sdelay $0x1  }
0x34: {  	v4 =	vld [tilespmem:s31+$0x3000]  }
0x35: {  	v5 =	vld [tilespmem:s31+$0x5000]  }
0x36: {  	v6 =	vld [tilespmem:s31+$0x4000]  }
0x37: {  	v7 =	vld.idx.msk [tilespmem:v1+s12+$0x0], $0xffff  }
0x38: {  	v8 =	vld.idx.msk [tilespmem:v2+s12+$0x0], $0xffff  }
0x39: {  	v9 =	vld [tilespmem:s31+$0x6000]  }
0x3a: {  	v10 =	vld.idx.msk [tilespmem:v3+s12+$0x0], $0xffff  }
0x3b: {  	v11 =	vld [tilespmem:s31+$0x7000]  }
0x3c: {  	v12 =	vld.idx.msk [tilespmem:v4+s12+$0x0], $0xffff  }
0x3d: {  	v13 =	vld [tilespmem:s31+$0x8000];
	v7 =	vadd.f32 v8, v7  }
0x3e: {  	v55 =	vld.idx.msk [tilespmem:v6+s12+$0x0], $0xffff  }
0x3f: {  	v7 =	vadd.f32 v10, v7  }
0x40: {  	v56 =	vld.idx.msk [tilespmem:v5+s12+$0x0], $0xffff  }
0x41: {  	v7 =	vadd.f32 v12, v7  }
0x42: {  	v57 =	vld.idx.msk [tilespmem:v9+s12+$0x0], $0xffff  }
0x43: {  	v7 =	vadd.f32 v55, v7  }
0x44: {  	v58 =	vld.idx.msk [tilespmem:v11+s12+$0x0], $0xffff  }
0x45: {  	v7 =	vadd.f32 v56, v7  }
0x46: {  	v59 =	vld.idx.msk [tilespmem:v13+s12+$0x0], $0xffff  }
0x47: {  	v7 =	vadd.f32 v57, v7;
	_ =	sdelay $0x1  }
0x48: {  	v7 =	vadd.f32 v58, v7;
	_ =	sdelay $0x1  }
0x49: {  	v1 =	vadd.s32 $0x4010, v1;
	v7 =	vadd.f32 v59, v7  }
0x4a: {  	v2 =	vadd.s32 $0x4010, v2  }
0x4b: {  	v7 =	vmul.f32 $1.111111120e-01, v7  }
0x4c: {  	s20 =	simm.s32 $0x1B080;
	v3 =	vadd.s32 $0x4010, v3  }
0x4d: {  	[tilespmem:s20+$0xFFFFF000] =	vst v7  }
0x4e: {  	v4 =	vadd.s32 $0x4010, v4;
	v1 =	vld.idx.msk [tilespmem:v1+s12+$0x0], $0xffff  }
0x4f: {  	v2 =	vld.idx.msk [tilespmem:v2+s12+$0x0], $0xffff  }
0x50: {  	v6 =	vadd.s32 $0x4010, v6  }
0x51: {  	v3 =	vld.idx.msk [tilespmem:v3+s12+$0x0], $0xffff  }
0x52: {  	v5 =	vadd.s32 $0x4010, v5  }
0x53: {  	v4 =	vld.idx.msk [tilespmem:v4+s12+$0x0], $0xffff  }
0x54: {  	v60 =	vadd.s32 $0x4010, v9;
	v1 =	vadd.f32 v2, v1  }
0x55: {  	v2 =	vld.idx.msk [tilespmem:v6+s12+$0x0], $0xffff  }
0x56: {  	v61 =	vadd.s32 $0x4010, v11;
	v1 =	vadd.f32 v3, v1  }
0x57: {  	v3 =	vld.idx.msk [tilespmem:v5+s12+$0x0], $0xffff  }
0x58: {  	v62 =	vadd.s32 $0x4010, v13;
	v1 =	vadd.f32 v4, v1  }
0x59: {  	v63 =	vld.idx.msk [tilespmem:v60+s12+$0x0], $0xffff  }
0x5a: {  	v1 =	vadd.f32 v2, v1  }
0x5b: {  	v2 =	vld.idx.msk [tilespmem:v61+s12+$0x0], $0xffff  }
0x5c: {  	v1 =	vadd.f32 v3, v1  }
0x5d: {  	v3 =	vld.idx.msk [tilespmem:v62+s12+$0x0], $0xffff  }
0x5e: {  	v1 =	vadd.f32 v63, v1;
	_ =	sdelay $0x1  }
0x5f: {  	v1 =	vadd.f32 v2, v1;
	_ =	sdelay $0x1  }
0x60: {  	v1 =	vadd.f32 v3, v1;
	_ =	sdelay $0x1  }
0x61: {  	s21 =	simm.s32 $0x10;
	s22 =	simm.s32 $0x1B080;
	v1 =	vmul.f32 $1.111111120e-01, v1  }
.LBB2_5:
0x62: {  	p0 =	sne.s32 s21, $0xFF0;
	s20 =	sadd.s32 $0x10, s20;
	s19 =	sadd.s32 $0x10, s19  }
0x63: {  	s23 =	smov.u32 s21;
	s21 =	sadd.s32 $0x10, s21;
	[tilespmem:s22+$0x0] =	vst v1;
	s22 =	smov.u32 s20  }
0x64: {  	v1 =	vld [tilespmem:s19+$0xFFFFF000]  }
0x65: {  	v2 =	vld [tilespmem:s19+$0x0]  }
0x66: {  	s23 =	sand.u32 $0xFF0, s23  }
0x67: {  	v3 =	vld [tilespmem:s23+$0x2000];
	_ =	sdelay $0x1  }
0x68: {  	v4 =	vld [tilespmem:s23+$0x3000]  }
0x69: {  	v5 =	vld [tilespmem:s23+$0x5000]  }
0x6a: {  	v6 =	vld [tilespmem:s23+$0x4000]  }
0x6b: {  	v7 =	vld.idx.msk [tilespmem:v1+s12+$0x0], $0xffff  }
0x6c: {  	v8 =	vld.idx.msk [tilespmem:v2+s12+$0x0], $0xffff  }
0x6d: {  	v9 =	vld [tilespmem:s23+$0x6000]  }
0x6e: {  	v10 =	vld.idx.msk [tilespmem:v3+s12+$0x0], $0xffff  }
0x6f: {  	v11 =	vld [tilespmem:s23+$0x7000]  }
0x70: {  	v12 =	vld.idx.msk [tilespmem:v4+s12+$0x0], $0xffff  }
0x71: {  	v13 =	vld [tilespmem:s23+$0x8000]  }
0x72: {  	v7 =	vadd.f32 v8, v7;
	v8 =	vld.idx.msk [tilespmem:v6+s12+$0x0], $0xffff;
	_ =	sdelay $0x1  }
0x73: {  	v7 =	vadd.f32 v10, v7;
	v10 =	vld.idx.msk [tilespmem:v5+s12+$0x0], $0xffff;
	_ =	sdelay $0x1  }
0x74: {  	v7 =	vadd.f32 v12, v7;
	v12 =	vld.idx.msk [tilespmem:v9+s12+$0x0], $0xffff;
	_ =	sdelay $0x1  }
0x75: {  	v7 =	vadd.f32 v8, v7;
	v8 =	vld.idx.msk [tilespmem:v11+s12+$0x0], $0xffff;
	_ =	sdelay $0x1  }
0x76: {  	v7 =	vadd.f32 v10, v7;
	v10 =	vld.idx.msk [tilespmem:v13+s12+$0x0], $0xffff;
	_ =	sdelay $0x1  }
0x77: {  	v7 =	vadd.f32 v12, v7;
	_ =	sdelay $0x1  }
0x78: {  	v7 =	vadd.f32 v8, v7;
	_ =	sdelay $0x1  }
0x79: {  	v1 =	vadd.s32 $0x4010, v1;
	v2 =	vadd.s32 $0x4010, v2;
	v7 =	vadd.f32 v10, v7;
	_ =	sdelay $0x1  }
0x7a: {  	v3 =	vadd.s32 $0x4010, v3;
	v7 =	vmul.f32 $1.111111120e-01, v7;
	_ =	sdelay $0x1  }
0x7b: {  	v4 =	vadd.s32 $0x4010, v4;
	[tilespmem:s20+$0xFFFFF000] =	vst v7  }
0x7c: {  	v1 =	vld.idx.msk [tilespmem:v1+s12+$0x0], $0xffff  }
0x7d: {  	v6 =	vadd.s32 $0x4010, v6;
	v2 =	vld.idx.msk [tilespmem:v2+s12+$0x0], $0xffff  }
0x7e: {  	v3 =	vld.idx.msk [tilespmem:v3+s12+$0x0], $0xffff  }
0x7f: {  	v5 =	vadd.s32 $0x4010, v5  }
0x80: {  	v4 =	vld.idx.msk [tilespmem:v4+s12+$0x0], $0xffff  }
0x81: {  	v7 =	vadd.s32 $0x4010, v9  }
0x82: {  	v6 =	vld.idx.msk [tilespmem:v6+s12+$0x0], $0xffff  }
0x83: {  	v8 =	vadd.s32 $0x4010, v11;
	v1 =	vadd.f32 v2, v1  }
0x84: {  	v2 =	vld.idx.msk [tilespmem:v5+s12+$0x0], $0xffff  }
0x85: {  	v5 =	vadd.s32 $0x4010, v13;
	v1 =	vadd.f32 v3, v1  }
0x86: {  	v3 =	vld.idx.msk [tilespmem:v7+s12+$0x0], $0xffff  }
0x87: {  	v1 =	vadd.f32 v4, v1  }
0x88: {  	v4 =	vld.idx.msk [tilespmem:v8+s12+$0x0], $0xffff  }
0x89: {  	v1 =	vadd.f32 v6, v1  }
0x8a: {  	v5 =	vld.idx.msk [tilespmem:v5+s12+$0x0], $0xffff  }
0x8b: {  	v1 =	vadd.f32 v2, v1;
	_ =	sdelay $0x1  }
0x8c: {  	v1 =	vadd.f32 v3, v1;
	_ =	sdelay $0x1  }
.Ltmp1:
0x8d: {  	v1 =	vadd.f32 v4, v1;
	(pc) =	sbr.rel @p0 .LBB2_5-.Ltmp1, $3  }
0x8e: {  	_ = 	snop  }
0x8f: {  	v1 =	vadd.f32 v5, v1;
	_ =	sdelay $0x1  }
0x90: {  	v1 =	vmul.f32 $1.111111120e-01, v1  }
0x91: {  	s17 =	sadd.s32 $0x1, s17  }
0x92: {  	s18 =	sshll.u32 s18, $0x9;
	p0 =	sne.s32 s17, $0x18  }
.Ltmp2:
0x93: {  	[tilespmem:s22+$0x0] =	vst v1;
	s18 =	sadd.s32 s6, s18;
	(pc) =	sbr.rel @p0 .LBB2_4-.Ltmp2, $4  }
0x94: {  	[hbm4b:s18+s2] =	stream.linear.scatter [tilespmem:s14], [sflag:$0x1], $0x2000, $0x38;
	[tilespmem:$0x1C080] =	vst v63  }
0x95: {  	_ =	swait.ge [sflag:s10], $0x2000  }
0x96: {  	[sflag:s10] =	ssyncset.done $0x0  }
0x97: {  	[sflag:s10] =	ssyncadd.s32 $0xFFFFE000  }
0x98: {  	s15 =	sadd.s32 $0x1, s15  }
0x99: {  	p0 =	sne.s32 s15, s9  }
.Ltmp3:
0x9a: {  	_ = 	snop;
	(pc) =	sbr.rel @p0 .LBB2_1-.Ltmp3, $1  }
0x9b: {  	_ =	sdelay $0x3  }
0x9c: {  	_ =	sfence.sel $0x180000  }
0x9d: {  	[bflag:$0x0] =	sbarrier.arrive $0xFFFF  }
0x9e: {  	p0 =	sne.s32 s3, $0x0;
	_ =	strace $0x9000004A  }
0x9f: {  	s0 =	sadd.s32 @!p0 $0x100000, s0;
	[bflag:$0x2] =	sbarrier.arrive $0xFFFF  }
0xa0: {  	[sflag:s0] =	ssyncadd.tile.s32 @!p0 $0x1;
	_ =	shalt  }
.Lfunc_end2:
_tile_overlayer_lowered:
.L_overlay_start_2:
0xa1: {  	(tag) =	ssettag $0x2  }
0xa2: {  	s0 =	rddreg [dreg:$0x0];
	s2 =	stileid.u32  }
0xa3: {  	s1 =	rddreg [dreg:$0x1];
	p0 =	sne.s32 s2, $0x0  }
0xa4: {  	s3 =	rddreg [dreg:$0x2];
	[bflag:$0x3] =	sbarrier.arrive $0xFFFF;
	s2 =	simm.s32 @!p0 $0x1C01  }
0xa5: {  	[timem:s3], [sflag:s2] =	dma.local @!p0 [hbm:s0], s1  }
0xa6: {  	s0 =	simm.s32 @!p0 $0x1  }
0xa7: {  	_ =	swait.ge @!p0 [sflag:s0], s1  }
0xa8: {  	s1 =	ssub.s32 @!p0 $0x0, s1;
	[sflag:s0] =	ssyncset.done @!p0 $0x0  }
0xa9: {  	[sflag:s0] =	ssyncadd.s32 @!p0 s1  }
0xaa: {  	[bflag:$0x3] =	sbarrier.arrive $0xFFFF  }
0xab: {  	_ =	shalt  }

// kernel: sparse-core-data-format-call.cloned.1.call-start
scs
called_computation_lowered:
.L_overlay_start_0:
0x0: {  	s2 =	sld [smem:$0x3FD9]  }
0x1: {  	s3 =	sld [smem:$0x3FFE];
	_ =	sdelay $0x1  }
0x2: {  	s1 =	srdreg.scid  }
0x3: {  	s0 =	sand.u32 $0x1, s1  }
0x4: {  	s18 =	sshll.u32 s0, $0xA;
	s2 =	sadd.s32 s3, s2  }
0x5: {  	s2 =	sadd.s32 s2, s18  }
0x6: {  	[smem:$0x3FC5] =	sst s2  }
0x7: {  	_ = 	snop  }
0x8: {  	s2 =	sld [smem:$0x3FC9];
	(tm) =	ssettm $0x1  }
0x9: {  	s19 =	sld [smem:$0x3FFB];
	_ =	sdelay $0x3  }
0xa: {  	_ =	strace s19  }
0xb: {  	s3 =	sld [smem:$0x3FFC];
	_ =	sdelay $0x3  }
0xc: {  	_ =	strace s3  }
0xd: {  	s3 =	sld [smem:$0x3FFD];
	_ =	sdelay $0x3  }
0xe: {  	_ =	strace s3  }
0xf: {  	_ =	strace $0x8FFFFFFF  }
0x10: {  	s20 =	sld [smem:$0x3FDB];
	_ =	sdelay $0x1  }
0x11: {  	s4 =	simm.s32 $_scs_section_size  }
0x12: {  	s5 =	simm.s32 $_size__tile_overlayer_lowered;
	s6 =	simm.s32 $_tile_overlayer_lowered  }
0x13: {  	s23 =	simm.s32 $0x1BFF;
	s22 =	sshll.u32 s6, $0x1;
	s3 =	sadd.s32 s4, s20  }
0x14: {  	s7 =	simm.s32 $0x0;
	s21 =	sshll.u32 s5, $0x1;
	s5 =	sadd.s32 s22, s3  }
0x15: {  	[timem:s7], [sflag:s23] =	dma.local [hbm:s5], s21  }
0x16: {  	_ =	swait.ge [sflag:s23], s21  }
0x17: {  	s4 =	ssub.s32 $0x0, s21;
	[sflag:s23] =	ssyncset.done $0x0  }
0x18: {  	[sflag:s23] =	ssyncadd.s32 s4;
	_ =	sdelay $0x1  }
0x19: {  	s24 =	simm.s32 $0x1B8B  }
0x1a: {  	_ =	swait.ge [sflag:s24], $0x1  }
0x1b: {  	[sflag:s24] =	ssyncset.done $0x0  }
0x1c: {  	s26 =	simm.s32 $0x1B8E;
	s25 =	sld [smem:$0x3FFE];
	[sflag:s24] =	ssyncadd.s32 $0xFFFFFFFF  }
0x1d: {  	s27 =	simm.s32 $execute0_lowered;
	[smem:$0x3FD2] =	sst s26  }
0x1e: {  	s5 =	sshll.u32 s27, $0x1;
	_ =	strace $0x80000046;
	[dreg:$0x1] =	wrdreg $0xFFFFFFFF  }
0x1f: {  	s28 =	simm.s32 $_size_execute0_lowered;
	s3 =	sadd.s32 s3, s5;
	[dreg:$0x0] =	wrdreg $0x0  }
0x20: {  	s5 =	sshll.u32 s28, $0x1;
	[dreg:$0x2] =	wrdreg s3  }
0x21: {  	[dreg:$0x3] =	wrdreg s5  }
0x22: {  	[dreg:$0x4] =	wrdreg $0xC0  }
0x23: {  	_ =	task [dreg:s7], $0x5FFFF  }
0x24: {  	[dreg:$0x1] =	wrdreg $0xFFFFFFFF  }
0x25: {  	[dreg:$0x0] =	wrdreg $0x60  }
0x26: {  	[dreg:$0x2] =	wrdreg s2  }
0x27: {  	[dreg:$0x3] =	wrdreg s25  }
0x28: {  	[dreg:$0x4] =	wrdreg $0x9  }
0x29: {  	_ =	task.clear_ibuf [dreg:s7], $0x5FFFF;
	_ =	strace $0x90000046  }
0x2a: {  	s29 =	simm.s32 $0x9;
	_ =	strace $0x80000048  }
0x2b: {  	_ =	swait.ge [sflag:s29], $0x1  }
0x2c: {  	[sflag:s29] =	ssyncadd.s32 $0xFFFFFFFF  }
0x2d: {  	_ =	strace $0x90000048  }
0x2e: {  	_ =	sfence  }
0x2f: {  	s30 =	sld [smem:$0x0];
	_ =	sdelay $0x2  }
0x30: {  	s31 =	sshll.u32 s1, $0xD;
	s1 =	sshrl.u32 s1, $0x2  }
0x31: {  	s3 =	sand.u32 $0x4000, s31;
	s1 =	sadd.s32 s1, s30  }
0x32: {  	s0 =	sor.u32 s3, s0;
	s1 =	sshll.u32 s1, $0x11  }
0x33: {  	s0 =	sor.u32 s1, s0  }
0x34: {  	s0 =	sadd.s32 $0x8F2B, s0  }
0x35: {  	[sflag:s0] =	ssyncadd.remote.s32 $0x1  }
0x36: {  	_ =	sfence.sel $0xFFFF  }
0x37: {  	[dreg:$0x0] =	wrdreg $0xFFFFFFFF;
	(pc) =	sbr.abs _section_cstart, $3  }
0x38: {  	[dreg:$0x1] =	wrdreg $0xFFFFFFFF  }
0x39: {  	_ =	task.clear_ibuf [dreg:s7], $0x2FFFF;
	_ =	strace $0x9FFFFFFF  }
0x3a: {  	(tm) =	ssettm $0x7FFFFFFF  }
0x3b: {  	_ =	shalt  }
tec
execute0_lowered:
.L_overlay_start_1:
0x0: {  	(tag) =	ssettag $0x1  }
0x1: {  	s2 =	rddreg [dreg:$0x0]  }
0x2: {  	s1 =	rddreg [dreg:$0x1]  }
0x3: {  	s0 =	rddreg [dreg:$0x2];
	_ =	strace $0x80000047;
	s4 =	srdreg.scid  }
0x4: {  	s6 =	simm.s32 $0x2;
	s11 =	simm.s32 $0x0;
	p0 =	por $0x0, $0x0  }
.Ltmp0:
0x5: {  	s7 =	simm.s32 $0x4000;
	s12 =	simm.s32 $0x0;
	(pc) =	sbr.rel .LBB1_1-.Ltmp0, $4  }
0x6: {  	s9 =	simm.s32 $0x0;
	s3 =	sadd.s32 $0xC00, s1;
	s5 =	sshll.u32 s4, $0x4  }
0x7: {  	s1 =	stileid.u32;
	s4 =	simm.s32 $0x1;
	s5 =	sand.u32 $0x10, s5  }
0x8: {  	s8 =	simm.s32 $0x0;
	[sflag:s4] =	ssyncpa.u1 $0x0;
	s5 =	sor.u32 s1, s5  }
0x9: {  	[sflag:s6] =	ssyncpa.u1 $0x0;
	s6 =	simm.s32 $0x800;
	s10 =	smov.u32 s5  }
.LBB1_7:
0xa: {  	s13 =	sadd.s32 $0x10, s9  }
0xb: {  	s11 =	sadd.s32 $0x20, s10;
	s15 =	smov.u32 s10;
	p2 =	sgt.s32 s13, $0x7F  }
0xc: {  	p1 =	slt.u32 s8, $0x2;
	s15 =	smov.u32 @p2 s11  }
0xd: {  	s8 =	sadd.s32 $0x1, s8;
	s13 =	simm.s32 @p2 $0x0;
	p2 =	sgt.s32 s15, $0xBF  }
0xe: {  	s15 =	smov.u32 @p2 s5;
	p2 =	sne.s32 s8, $0x32  }
.Ltmp1:
0xf: {  	_ = 	snop;
	(pc) =	sbr.rel @!p2 .LBB1_8-.Ltmp1, $4  }
0x10: {  	s14 =	simm.s32 @!p1 $0x2  }
0x11: {  	s12 =	smov.u32 s10;
	_ =	swait.ge @!p1 [sflag:s14], $0x4000  }
0x12: {  	p0 =	por !p0, !p0;
	s11 =	smov.u32 s9;
	[sflag:s14] =	ssyncset.done @!p1 $0x0  }
0x13: {  	s9 =	smov.u32 s13;
	[sflag:s14] =	ssyncadd.s32 @!p1 $0xFFFFC000;
	s10 =	smov.u32 s15  }
.LBB1_1:
0x14: {  	p1 =	sgt.u32 s8, $0x2F  }
0x15: {  	s13 =	sxor.u32 @!p1 $0xFFFFFFFF, s8;
	s14 =	sshll.u32 @!p1 s10, $0xE  }
0x16: {  	s15 =	sshll.u32 @!p1 s9, $0x7;
	s13 =	sshll.u32 @!p1 s13, $0xE;
	s14 =	sadd.s32 @!p1 s2, s14  }
0x17: {  	s13 =	sand.u32 @!p1 $0x4000, s13;
	s14 =	sadd.s32 @!p1 s15, s14;
	s15 =	simm.s32 @!p1 $0x0  }
0x18: {  	[tilespmem:s13], [sflag:$0x1] =	stream.linear.gather @!p1 [hbm4b:s14+s15], $0x4000, $0x38;
	[tilespmem:$0x10000] =	vst v63  }
0x19: {  	p1 =	seq.s32 s8, $0x0  }
0x1a: {  	p2 =	seq.s32 @!p1 s8, $0x31  }
0x1b: {  	p1 =	por p1, p2  }
.Ltmp2:
0x1c: {  	_ = 	snop;
	(pc) =	sbr.rel @p1 .LBB1_7-.Ltmp2, $1  }
0x1d: {  	_ =	sdelay $0x3  }
0x1e: {  	s13 =	simm.s32 $0x1;
	_ =	swait.ge [sflag:s4], $0x4000;
	s16 =	sshll.u32 s8, $0xE  }
0x1f: {  	s13 =	simm.s32 @!p0 $0x0;
	[sflag:s4] =	ssyncset.done $0x0;
	s31 =	sand.u32 $0x4000, s16  }
0x20: {  	s16 =	simm.s32 $0x0;
	s14 =	sshll.u32 s13, $0xE;
	[sflag:s4] =	ssyncadd.s32 $0xFFFFC000  }
0x21: {  	s13 =	sor.u32 $0x8040, s14;
	s15 =	sor.u32 $0x40, s14;
	s14 =	sor.u32 $0x8000, s31  }
.LBB1_3:
0x22: {  	v0 =	vmov s15;
	_ =	sdelay $0x3  }
0x23: {  	s18 =	simm.s32 $0x0  }
0x24: {  	v6 =	vld.idx.msk [tilespmem:v0+s18+$0x30 ss:$0x1], $0xffff  }
0x25: {  	v7 =	vld.idx.msk [tilespmem:v0+s18+$0xFFFFFFC0 ss:$0x1], $0xffff  }
0x26: {  	v5 =	vld.idx.msk [tilespmem:v0+s18+$0xFFFFFFD0 ss:$0x1], $0xffff  }
0x27: {  	v4 =	vld.idx.msk [tilespmem:v0+s18+$0xFFFFFFE0 ss:$0x1], $0xffff  }
0x28: {  	v3 =	vld.idx.msk [tilespmem:v0+s18+$0xFFFFFFF0 ss:$0x1], $0xffff  }
0x29: {  	v1 =	vld.idx.msk [tilespmem:v0+s18+$0x0 ss:$0x1], $0xffff  }
0x2a: {  	v2 =	vld.idx.msk [tilespmem:v0+s18+$0x10 ss:$0x1], $0xffff;
	[tilespmem:s13+$0x30] =	vst v6  }
0x2b: {  	s17 =	simm.s32 $0x80;
	s19 =	simm.s32 $0x400;
	[tilespmem:s13+$0xFFFFFFC0] =	vst v7;
	v6 =	vld.idx.msk [tilespmem:v0+s18+$0x20 ss:$0x1], $0xffff;
	s18 =	smov.u32 s13  }
.LBB1_4:
0x2c: {  	p1 =	sne.s32 s19, $0xE00;
	v7 =	vld.idx.msk [tilespmem:v0+s17+$0x30 ss:$0x1], $0xffff;
	[tilespmem:s18+$0xFFFFFFD0] =	vst v5  }
0x2d: {  	v8 =	vld.idx.msk [tilespmem:v0+s17+$0xFFFFFFC0 ss:$0x1], $0xffff;
	[tilespmem:s18+$0xFFFFFFE0] =	vst v4  }
0x2e: {  	v5 =	vld.idx.msk [tilespmem:v0+s17+$0xFFFFFFD0 ss:$0x1], $0xffff;
	[tilespmem:s18+$0xFFFFFFF0] =	vst v3  }
.Ltmp3:
0x2f: {  	v4 =	vld.idx.msk [tilespmem:v0+s17+$0xFFFFFFE0 ss:$0x1], $0xffff;
	[tilespmem:s18+$0x0] =	vst v1;
	(pc) =	sbr.rel @p1 .LBB1_4-.Ltmp3, $4  }
0x30: {  	v3 =	vld.idx.msk [tilespmem:v0+s17+$0xFFFFFFF0 ss:$0x1], $0xffff;
	[tilespmem:s18+$0x10] =	vst v2  }
0x31: {  	v1 =	vld.idx.msk [tilespmem:v0+s17+$0x0 ss:$0x1], $0xffff;
	[tilespmem:s18+$0x20] =	vst v6;
	s18 =	sadd.s32 $0x800, s18  }
0x32: {  	v2 =	vld.idx.msk [tilespmem:v0+s17+$0x10 ss:$0x1], $0xffff;
	[tilespmem:s18+$0x30] =	vst v7  }
0x33: {  	[tilespmem:s18+$0xFFFFFFC0] =	vst v8;
	v6 =	vld.idx.msk [tilespmem:v0+s17+$0x20 ss:$0x1], $0xffff;
	s17 =	sshra.s32 s19, $0x2;
	s19 =	sadd.s32 $0x200, s19  }
0x34: {  	_ =	sdelay $0x2  }
0x35: {  	[tilespmem:s18+$0xFFFFFFD0] =	vst v5  }
0x36: {  	v56 =	vld.idx.msk [tilespmem:v0+s17+$0x30 ss:$0x1], $0xffff;
	[tilespmem:s18+$0xFFFFFFE0] =	vst v4  }
0x37: {  	v57 =	vld.idx.msk [tilespmem:v0+s17+$0xFFFFFFC0 ss:$0x1], $0xffff;
	[tilespmem:s18+$0xFFFFFFF0] =	vst v3  }
0x38: {  	v58 =	vld.idx.msk [tilespmem:v0+s17+$0xFFFFFFD0 ss:$0x1], $0xffff;
	[tilespmem:s18+$0x0] =	vst v1  }
0x39: {  	v59 =	vld.idx.msk [tilespmem:v0+s17+$0xFFFFFFE0 ss:$0x1], $0xffff;
	[tilespmem:s18+$0x10] =	vst v2  }
0x3a: {  	v60 =	vld.idx.msk [tilespmem:v0+s17+$0xFFFFFFF0 ss:$0x1], $0xffff;
	s31 =	sadd.s32 $0x800, s18;
	[tilespmem:s18+$0x20] =	vst v6  }
0x3b: {  	v61 =	vld.idx.msk [tilespmem:v0+s17+$0x0 ss:$0x1], $0xffff;
	[tilespmem:s31+$0x30] =	vst v56  }
0x3c: {  	v62 =	vld.idx.msk [tilespmem:v0+s17+$0x10 ss:$0x1], $0xffff;
	s16 =	sadd.s32 $0x1, s16;
	[tilespmem:s31+$0xFFFFFFC0] =	vst v57  }
0x3d: {  	v63 =	vld.idx.msk [tilespmem:v0+s17+$0x20 ss:$0x1], $0xffff;
	p1 =	sne.s32 s16, $0x10;
	[tilespmem:s31+$0xFFFFFFD0] =	vst v58  }
.Ltmp4:
0x3e: {  	[tilespmem:s31+$0xFFFFFFE0] =	vst v59;
	(pc) =	sbr.rel @p1 .LBB1_3-.Ltmp4, $4  }
0x3f: {  	[tilespmem:s31+$0xFFFFFFF0] =	vst v60  }
0x40: {  	[tilespmem:s31+$0x0] =	vst v61  }
0x41: {  	[tilespmem:s31+$0x10] =	vst v62  }
0x42: {  	s13 =	sadd.s32 $0x80, s13;
	s15 =	sadd.s32 $0x400, s15;
	[tilespmem:s31+$0x20] =	vst v63  }
.Ltmp5:
0x43: {  	(pc) =	sbr.rel .LBB1_7-.Ltmp5, $4  }
0x44: {  	s12 =	sshll.u32 s12, $0xE;
	s11 =	sshll.u32 s11, $0x4  }
0x45: {  	s11 =	sand.u32 $0x7F0, s11;
	s12 =	sadd.s32 s3, s12  }
0x46: {  	s11 =	sadd.s32 s11, s12  }
0x47: {  	[hbm4b:s11+s6] =	stream.strided.scatter [tilespmem:s14], [sflag:$0x2], $0x4000, s7, s6, $0x38;
	[tilespmem:$0x10000] =	vst v63  }
.LBB1_8:
0x48: {  	_ =	sfence.sel $0x180000  }
0x49: {  	s2 =	simm.s32 $0x1;
	[bflag:$0x0] =	sbarrier.arrive $0xFFFF  }
0x4a: {  	s31 =	simm.s32 $0x2;
	[sflag:s2] =	ssyncpa.u1 $0x1  }
0x4b: {  	[sflag:s31] =	ssyncpa.u1 $0x1  }
0x4c: {  	p0 =	sne.s32 s1, $0x0;
	_ =	strace $0x90000047  }
0x4d: {  	s0 =	sadd.s32 @!p0 $0x100000, s0;
	[bflag:$0x2] =	sbarrier.arrive $0xFFFF  }
0x4e: {  	[sflag:s0] =	ssyncadd.tile.s32 @!p0 $0x1;
	_ =	shalt  }
.Lfunc_end1:
_tile_overlayer_lowered:
.L_overlay_start_2:
0x4f: {  	(tag) =	ssettag $0x2  }
0x50: {  	s0 =	rddreg [dreg:$0x0];
	s2 =	stileid.u32  }
0x51: {  	s1 =	rddreg [dreg:$0x1];
	p0 =	sne.s32 s2, $0x0  }
0x52: {  	s3 =	rddreg [dreg:$0x2];
	[bflag:$0x3] =	sbarrier.arrive $0xFFFF;
	s2 =	simm.s32 @!p0 $0x1C01  }
0x53: {  	[timem:s3], [sflag:s2] =	dma.local @!p0 [hbm:s0], s1  }
0x54: {  	s0 =	simm.s32 @!p0 $0x1  }
0x55: {  	_ =	swait.ge @!p0 [sflag:s0], s1  }
0x56: {  	s1 =	ssub.s32 @!p0 $0x0, s1;
	[sflag:s0] =	ssyncset.done @!p0 $0x0  }
0x57: {  	[sflag:s0] =	ssyncadd.s32 @!p0 s1  }
0x58: {  	[bflag:$0x3] =	sbarrier.arrive $0xFFFF  }
0x59: {  	_ =	shalt  }

</sc_bundles>
